<compile_context>
chip_gen: v7x
topology: tpu7x:2x2x1
jax: 0.10.2.dev20260603
libtpu: 0.0.44.dev20260713+nightly
codegen_flags: <defaults>
</compile_context>

<pallas_src>
import jax
import jax.numpy as jnp
from jax import lax
from jax.experimental import pallas as pl
from jax.experimental.pallas import tpu as pltpu
from jax.experimental.pallas import tpu_sc as plsc
import functools

ALPHA = 0.2

_info = plsc.get_sparse_core_info()
_NC = _info.num_cores
_NS = _info.num_subcores
_L = _info.num_lanes
_NW = _NC * _NS

_ALIGN = 128


_TC_GRID = 5
_TC_ROWS = 2048


def _tc_node_scores(h_ref, w_lin_ref, w_attn2_ref, p_ref):
    uv = lax.dot_general(
        w_lin_ref[...], w_attn2_ref[...],
        (((1,), (1,)), ((), ())),
        preferred_element_type=jnp.float32,
        precision=lax.Precision.HIGHEST,
    )
    st = lax.dot_general(
        uv, h_ref[...],
        (((0,), (1,)), ((), ())),
        preferred_element_type=jnp.float32,
    )
    s16 = lax.bitcast_convert_type(st[0].astype(jnp.bfloat16), jnp.uint16)
    t16 = lax.bitcast_convert_type(st[1].astype(jnp.bfloat16), jnp.uint16)
    packed = s16.astype(jnp.uint32) | (t16.astype(jnp.uint32) << 16)
    p_ref[...] = lax.bitcast_convert_type(packed, jnp.int32)


def _make_sc_edge_kernel(n_pad, n_edges):
    epw = n_edges // _NW
    span = ((epw + 2 * _ALIGN - 1) // _ALIGN) * _ALIGN

    @functools.partial(
        pl.kernel,
        out_type=jax.ShapeDtypeStruct((n_edges,), jnp.float32),
        mesh=plsc.VectorSubcoreMesh(core_axis_name="c", subcore_axis_name="s"),
        compiler_params=pltpu.CompilerParams(needs_layout_passes=False),
        scratch_types=[
            pltpu.VMEM((n_pad,), jnp.int32),
            pltpu.VMEM((2, span), jnp.int32),
            pltpu.VMEM((epw,), jnp.float32),
            pltpu.SemaphoreType.DMA,
            pltpu.SemaphoreType.DMA,
        ],
    )
    def sc_edge_kernel(p_hbm, edge_hbm, out_hbm,
                       tab_v, ed_v, out_v, sem_p, sem_e):
        wid = lax.axis_index("s") * _NC + lax.axis_index("c")
        base = wid * epw
        astart = jnp.minimum((base // _ALIGN) * _ALIGN, n_edges - span)
        off = base - astart
        cp_p = pltpu.async_copy(p_hbm, tab_v, sem_p)
        cp_e = pltpu.async_copy(edge_hbm.at[:, pl.ds(astart, span)], ed_v, sem_e)
        cp_p.wait()
        cp_e.wait()

        zeros = jnp.zeros((_L,), jnp.int32)
        ones = jnp.ones((_L,), jnp.int32)
        lanes = lax.iota(jnp.int32, _L)
        himask = jnp.int32(-65536)

        @plsc.parallel_loop(0, epw, _L, unroll=8)
        def _loop(o):
            col = lanes + (off + o)
            si = plsc.load_gather(ed_v, [zeros, col])
            di = plsc.load_gather(ed_v, [ones, col])
            ps = plsc.load_gather(tab_v, [si])
            pd = plsc.load_gather(tab_v, [di])
            sv = lax.bitcast_convert_type(ps << 16, jnp.float32)
            tv = lax.bitcast_convert_type(pd & himask, jnp.float32)
            ev = sv + tv
            out_v[pl.ds(o, _L)] = jnp.where(ev >= 0.0, ev, ALPHA * ev)

        pltpu.sync_copy(out_v, out_hbm.at[pl.ds(base, epw)])

    return sc_edge_kernel


def kernel(h, edge_list, W_lin, W_attn):
    n_nodes = h.shape[0]
    n_edges = edge_list.shape[1]

    w_attn2 = W_attn.reshape(2, -1)

    n_pad = _TC_GRID * _TC_ROWS
    packed = pl.pallas_call(
        _tc_node_scores,
        grid=(_TC_GRID,),
        in_specs=[
            pl.BlockSpec((_TC_ROWS, h.shape[1]), lambda i: (i, 0)),
            pl.BlockSpec(W_lin.shape, lambda i: (0, 0)),
            pl.BlockSpec(w_attn2.shape, lambda i: (0, 0)),
        ],
        out_specs=pl.BlockSpec((_TC_ROWS,), lambda i: (i,)),
        out_shape=jax.ShapeDtypeStruct((n_pad,), jnp.int32),
    )(h, W_lin, w_attn2)

    edge_list = edge_list.astype(jnp.int32)
    e_flat = _make_sc_edge_kernel(n_pad, n_edges)(packed, edge_list)
    return e_flat.reshape(n_edges, 1)

# --- scband reference (transcript-rebuilt; emitter-appended) ---
"""Pipeline reference for scband-sparse-graph-attention-layer-61495341744392 (READ-ONLY COPY).

The authoritative reference and input builder live on the scoring server;
editing this copy changes nothing except your own understanding.
"""

import jax, jax.numpy as jnp
import numpy as np

IN_FEATURES = 128
OUT_FEATURES = 128
N_NODES = 10000
N_EDGES = 320000
ALPHA = 0.2


def setup_inputs(seed: int = 0) -> dict:
    key = jax.random.key(seed)
    k1, k2, k3, k4 = jax.random.split(key, 4)
    h = jax.random.normal(k1, (N_NODES, IN_FEATURES), dtype=jnp.float32)
    edge_list = jax.random.randint(k2, (2, N_EDGES), 0, N_NODES, dtype=jnp.int64)
    # nn.Linear(in_features, out_features, bias=False): weight [out, in]; store transposed [in, out]
    W_lin = jax.random.normal(k3, (IN_FEATURES, OUT_FEATURES), dtype=jnp.float32) / np.sqrt(IN_FEATURES)
    # nn.Linear(2*out_features, 1, bias=False): store as [2*out, 1]
    W_attn = jax.random.normal(k4, (2 * OUT_FEATURES, 1), dtype=jnp.float32) / np.sqrt(2 * OUT_FEATURES)
    return {"h": h, "edge_list": edge_list, "W_lin": W_lin, "W_attn": W_attn}


def reference(h, edge_list, W_lin, W_attn):
    # Note: in the original module, x = F.dropout(h, ...) is computed but never used,
    # and self.weight / self.a are unused parameters; forward only uses linear + attn.
    h_proj = h @ W_lin  # [N, n_hidden]
    source = edge_list[0]
    target = edge_list[1]
    h_src = jnp.take(h_proj, source, axis=0)  # gather [E, n_hidden]
    h_dst = jnp.take(h_proj, target, axis=0)  # gather [E, n_hidden]
    a_input = jnp.concatenate([h_src, h_dst], axis=1)  # [E, 2*n_hidden]
    e = a_input @ W_attn  # [E, 1]
    e = jnp.where(e >= 0, e, ALPHA * e)  # LeakyReLU(0.2)
    return e

if __name__ == "__main__":
    import jax
    _d = setup_inputs()
    print(jax.jit(kernel)(*tuple(_d.values())))

</pallas_src>

<mosaic_0001>
#map = affine_map<(d0, d1) -> (0)>
#map1 = affine_map<(d0, d1) -> (0, 0)>
module attributes {stable_mosaic.version = 14 : i64} {
  func.func @sc_edge_kernel(%arg0: i32, %arg1: i32, %arg2: memref<10240xi32, #tpu.memory_space<hbm>>, %arg3: memref<2x320000xi32, #tpu.memory_space<hbm>>, %arg4: memref<320000xf32, #tpu.memory_space<hbm>>, %arg5: memref<10240xi32, #tpu.memory_space<vmem>>, %arg6: memref<2x10240xi32, #tpu.memory_space<vmem>>, %arg7: memref<10000xf32, #tpu.memory_space<vmem>>, %arg8: memref<!tpu.dma_semaphore, #tpu.memory_space<semaphore_mem>>, %arg9: memref<!tpu.dma_semaphore, #tpu.memory_space<semaphore_mem>>) attributes {dimension_semantics = [#tpu.dimension_semantics<core_parallel>, #tpu.dimension_semantics<subcore_parallel>], iteration_bounds = array<i64: 2, 16>, scalar_prefetch = 0 : i64, scratch_operands = 5 : i64, tpu.core_type = #tpu.core_type<sc_vector_subcore>, window_params = [{transform_indices = #map}, {transform_indices = #map1}, {transform_indices = #map}]} {
    %mul3A = arith.constant 2 : i32
    %mul3A_0 = arith.muli %arg1, %mul3A : i32
    %add3A = arith.addi %mul3A_0, %arg0 : i32
    %mul3A_1 = arith.constant 10000 : i32
    %mul3A_2 = arith.muli %add3A, %mul3A_1 : i32
    %jit3A = arith.constant 128 : i32
    %div3A = arith.divsi %mul3A_2, %jit3A : i32
    %sign3A = arith.constant 0 : i32
    %sign3A_3 = arith.cmpi sgt, %mul3A_2, %sign3A : i32
    %sign3A_4 = arith.extui %sign3A_3 : i1 to i32
    %sign3A_5 = arith.constant 0 : i32
    %sign3A_6 = arith.cmpi slt, %mul3A_2, %sign3A_5 : i32
    %sign3A_7 = arith.extui %sign3A_6 : i1 to i32
    %sign3A_8 = arith.subi %sign3A_4, %sign3A_7 : i32
    %sign3A_9 = arith.constant 0 : i32
    %sign3A_10 = arith.cmpi sgt, %jit3A, %sign3A_9 : i32
    %sign3A_11 = arith.extui %sign3A_10 : i1 to i32
    %sign3A_12 = arith.constant 0 : i32
    %sign3A_13 = arith.cmpi slt, %jit3A, %sign3A_12 : i32
    %sign3A_14 = arith.extui %sign3A_13 : i1 to i32
    %sign3A_15 = arith.subi %sign3A_11, %sign3A_14 : i32
    %ne3A = arith.cmpi ne, %sign3A_8, %sign3A_15 : i32
    %rem3A = arith.remsi %mul3A_2, %jit3A : i32
    %ne3A_16 = arith.constant 0 : i32
    %ne3A_17 = arith.cmpi ne, %rem3A, %ne3A_16 : i32
    %and3A = arith.andi %ne3A, %ne3A_17 : i1
    %sub3A = arith.constant 1 : i32
    %sub3A_18 = arith.subi %div3A, %sub3A : i32
    %select_n3A = arith.select %and3A, %sub3A_18, %div3A : i32
    %mul3A_19 = arith.constant 128 : i32
    %mul3A_20 = arith.muli %select_n3A, %mul3A_19 : i32
    %min3A = arith.constant 309760 : i32
    %min3A_21 = arith.minsi %mul3A_20, %min3A : i32
    %sub3A_22 = arith.subi %mul3A_2, %min3A_21 : i32
    tpu.enqueue_dma source(%arg2 : memref<10240xi32, #tpu.memory_space<hbm>>) target(%arg5 : memref<10240xi32, #tpu.memory_space<vmem>>) target_semaphore(%arg8 : memref<!tpu.dma_semaphore, #tpu.memory_space<semaphore_mem>>)
    %dma_start3A = arith.constant 0 : i32
    %dma_start3A_23 = tpu.memref_slice %arg3[%dma_start3A, %min3A_21] : memref<2x320000xi32, #tpu.memory_space<hbm>> -> memref<2x10240xi32, #tpu.memory_space<hbm>>
    %dma_start3A_24 = arith.constant 0 : i32
    %dma_start3A_25 = tpu.memref_slice %arg3[%dma_start3A_24, %min3A_21] : memref<2x320000xi32, #tpu.memory_space<hbm>> -> memref<2x10240xi32, #tpu.memory_space<hbm>>
    tpu.enqueue_dma source(%dma_start3A_25 : memref<2x10240xi32, #tpu.memory_space<hbm>>) target(%arg6 : memref<2x10240xi32, #tpu.memory_space<vmem>>) target_semaphore(%arg9 : memref<!tpu.dma_semaphore, #tpu.memory_space<semaphore_mem>>)
    tpu.wait_dma2 semaphore(%arg8 : memref<!tpu.dma_semaphore, #tpu.memory_space<semaphore_mem>>) src(%arg2 : memref<10240xi32, #tpu.memory_space<hbm>>) dst(%arg5 : memref<10240xi32, #tpu.memory_space<vmem>>)
    %dma_wait3A = arith.constant 0 : i32
    %dma_wait3A_26 = tpu.memref_slice %arg3[%dma_wait3A, %min3A_21] : memref<2x320000xi32, #tpu.memory_space<hbm>> -> memref<2x10240xi32, #tpu.memory_space<hbm>>
    %dma_wait3A_27 = arith.constant 0 : i32
    %dma_wait3A_28 = tpu.memref_slice %arg3[%dma_wait3A_27, %min3A_21] : memref<2x320000xi32, #tpu.memory_space<hbm>> -> memref<2x10240xi32, #tpu.memory_space<hbm>>
    tpu.wait_dma2 semaphore(%arg9 : memref<!tpu.dma_semaphore, #tpu.memory_space<semaphore_mem>>) src(%dma_wait3A_28 : memref<2x10240xi32, #tpu.memory_space<hbm>>) dst(%arg6 : memref<2x10240xi32, #tpu.memory_space<vmem>>)
    %broadcast_in_dim3A = arith.constant 0 : i32
    %broadcast_in_dim3A_29 = vector.broadcast %broadcast_in_dim3A : i32 to vector<16xi32>
    %broadcast_in_dim3A_30 = arith.constant 1 : i32
    %broadcast_in_dim3A_31 = vector.broadcast %broadcast_in_dim3A_30 : i32 to vector<16xi32>
    %iota3A = tpu.iota {dimensions = array<i32: 0>} : vector<16xi32>
    %parallel_loop3A = arith.constant 0 : i32
    %parallel_loop3A_32 = arith.constant 10000 : i32
    %parallel_loop3A_33 = arith.constant 16 : i32
    %parallel_loop3A_34 = arith.constant -65536 : i32
    scf.for %parallel_loop3A_35 = %parallel_loop3A to %parallel_loop3A_32 step %parallel_loop3A_33  : i32 {
      %parallel_loop3A_36 = arith.addi %sub3A_22, %parallel_loop3A_35 : i32
      %parallel_loop3A_37 = vector.broadcast %parallel_loop3A_36 : i32 to vector<16xi32>
      %parallel_loop3A_38 = arith.addi %iota3A, %parallel_loop3A_37 : vector<16xi32>
      %parallel_loop3A_39 = tpu.vector_load_idx %arg6[%broadcast_in_dim3A_29, %parallel_loop3A_38] : memref<2x10240xi32, #tpu.memory_space<vmem>>[vector<16xi32>, vector<16xi32>], vector<16xi32>,
      %parallel_loop3A_40 = tpu.vector_load_idx %arg6[%broadcast_in_dim3A_31, %parallel_loop3A_38] : memref<2x10240xi32, #tpu.memory_space<vmem>>[vector<16xi32>, vector<16xi32>], vector<16xi32>,
      %parallel_loop3A_41 = tpu.vector_load_idx %arg5[%parallel_loop3A_39] : memref<10240xi32, #tpu.memory_space<vmem>>[vector<16xi32>], vector<16xi32>,
      %parallel_loop3A_42 = tpu.vector_load_idx %arg5[%parallel_loop3A_40] : memref<10240xi32, #tpu.memory_space<vmem>>[vector<16xi32>], vector<16xi32>,
      %parallel_loop3A_43 = arith.constant 16 : i32
      %parallel_loop3A_44 = vector.broadcast %parallel_loop3A_43 : i32 to vector<16xi32>
      %parallel_loop3A_45 = arith.shli %parallel_loop3A_41, %parallel_loop3A_44 : vector<16xi32>
      %parallel_loop3A_46 = tpu.bitcast %parallel_loop3A_45 : vector<16xi32> -> vector<16xf32>
      %parallel_loop3A_47 = vector.broadcast %parallel_loop3A_34 : i32 to vector<16xi32>
      %parallel_loop3A_48 = arith.andi %parallel_loop3A_42, %parallel_loop3A_47 : vector<16xi32>
      %parallel_loop3A_49 = tpu.bitcast %parallel_loop3A_48 : vector<16xi32> -> vector<16xf32>
      %parallel_loop3A_50 = arith.addf %parallel_loop3A_46, %parallel_loop3A_49 : vector<16xf32>
      %parallel_loop3A_51 = arith.constant 0.000000e+00 : f32
      %parallel_loop3A_52 = vector.broadcast %parallel_loop3A_51 : f32 to vector<16xf32>
      %parallel_loop3A_53 = arith.cmpf oge, %parallel_loop3A_50, %parallel_loop3A_52 : vector<16xf32>
      %parallel_loop3A_54 = arith.constant 2.000000e-01 : f32
      %parallel_loop3A_55 = vector.broadcast %parallel_loop3A_54 : f32 to vector<16xf32>
      %parallel_loop3A_56 = arith.mulf %parallel_loop3A_55, %parallel_loop3A_50 : vector<16xf32>
      %parallel_loop3A_57 = arith.select %parallel_loop3A_53, %parallel_loop3A_50, %parallel_loop3A_56 : vector<16xi1>, vector<16xf32>
      %parallel_loop3A_58 = arith.index_cast %parallel_loop3A_35 : i32 to index
      %parallel_loop3A_59 = tpu.vector_load %arg7[%parallel_loop3A_58] {strides = array<i32>} : memref<10000xf32, #tpu.memory_space<vmem>>, vector<16xf32>,
      tpu.vector_store %arg7[%parallel_loop3A_58], %parallel_loop3A_57 {strides = array<i32>} : memref<10000xf32, #tpu.memory_space<vmem>>, vector<16xf32>,
    } {sc.loop_unroll_factor = 8 : i64, sc.parallel_access}
    "tpu.region"() ({
      %run_scoped3A = tpu.sem_alloc : memref<!tpu.dma_semaphore, #tpu.memory_space<semaphore_mem>>
      %dma_start3A_35 = tpu.memref_slice %arg4[%mul3A_2] : memref<320000xf32, #tpu.memory_space<hbm>> -> memref<10000xf32, #tpu.memory_space<hbm>>
      %dma_start3A_36 = tpu.memref_slice %arg4[%mul3A_2] : memref<320000xf32, #tpu.memory_space<hbm>> -> memref<10000xf32, #tpu.memory_space<hbm>>
      tpu.enqueue_dma source(%arg7 : memref<10000xf32, #tpu.memory_space<vmem>>) target(%dma_start3A_36 : memref<10000xf32, #tpu.memory_space<hbm>>) target_semaphore(%run_scoped3A : memref<!tpu.dma_semaphore, #tpu.memory_space<semaphore_mem>>)
      %dma_wait3A_37 = tpu.memref_slice %arg4[%mul3A_2] : memref<320000xf32, #tpu.memory_space<hbm>> -> memref<10000xf32, #tpu.memory_space<hbm>>
      %dma_wait3A_38 = tpu.memref_slice %arg4[%mul3A_2] : memref<320000xf32, #tpu.memory_space<hbm>> -> memref<10000xf32, #tpu.memory_space<hbm>>
      tpu.wait_dma2 semaphore(%run_scoped3A : memref<!tpu.dma_semaphore, #tpu.memory_space<semaphore_mem>>) src(%arg7 : memref<10000xf32, #tpu.memory_space<vmem>>) dst(%dma_wait3A_38 : memref<10000xf32, #tpu.memory_space<hbm>>)
      tpu.yield
    }) : () -> ()
    return
  }
}

module attributes {stable_mosaic.version = 14 : i64} {
  func.func @_tc_node_scores(%arg0: i32, %arg1: memref<2048x128xf32, #tpu.memory_space<vmem>>, %arg2: memref<128x128xf32, #tpu.memory_space<vmem>>, %arg3: memref<2x128xf32, #tpu.memory_space<vmem>>, %arg4: memref<2048xi32, #tpu.memory_space<vmem>>) attributes {dimension_semantics = [#tpu.dimension_semantics<arbitrary>], iteration_bounds = array<i64: 5>, scalar_prefetch = 0 : i64, scratch_operands = 0 : i64, tpu.core_type = #tpu.core_type<tc>, window_params = [{transform_indices = @transform_0, window_bounds = array<i64: 2048, 128>}, {pipeline_mode = #tpu.pipeline_mode<synchronous>, transform_indices = @transform_1, window_bounds = array<i64: 128, 128>}, {pipeline_mode = #tpu.pipeline_mode<synchronous>, transform_indices = @transform_2, window_bounds = array<i64: 2, 128>}, {transform_indices = @transform_3, window_bounds = array<i64: 2048>}]} {
    %get3A = arith.constant 0 : index
    %get3A_0 = arith.constant 0 : index
    %get3A_1 = vector.load %arg2[%get3A, %get3A_0] : memref<128x128xf32, #tpu.memory_space<vmem>>, vector<128x128xf32>
    %get3A_2 = arith.constant 0 : index
    %get3A_3 = arith.constant 0 : index
    %get3A_4 = vector.load %arg3[%get3A_2, %get3A_3] : memref<2x128xf32, #tpu.memory_space<vmem>>, vector<2x128xf32>
    %dot_general3A = arith.constant dense<0.000000e+00> : vector<128x2xf32>
    %dot_general3A_5 = tpu.matmul %get3A_1, %get3A_4, %dot_general3A {dimension_numbers = #tpu.dot_dimension_numbers<[1], [1], [0], [0], [0, 0, 1, 0], [], []>, precision = #tpu.contract_precision<fp32>, transpose_lhs_hint = false} : vector<128x128xf32>, vector<2x128xf32>, vector<128x2xf32> -> vector<128x2xf32>
    %get3A_6 = arith.constant 0 : index
    %get3A_7 = arith.constant 0 : index
    %get3A_8 = vector.load %arg1[%get3A_6, %get3A_7] : memref<2048x128xf32, #tpu.memory_space<vmem>>, vector<2048x128xf32>
    %dot_general3A_9 = arith.constant dense<0.000000e+00> : vector<2x2048xf32>
    %dot_general3A_10 = tpu.matmul %dot_general3A_5, %get3A_8, %dot_general3A_9 {dimension_numbers = #tpu.dot_dimension_numbers<[0], [1], [1], [0], [0, 1, 1, 0], [], []>, transpose_lhs_hint = false} : vector<128x2xf32>, vector<2048x128xf32>, vector<2x2048xf32> -> vector<2x2048xf32>
    %slice3A = vector.extract_strided_slice %dot_general3A_10 {offsets = [0, 0], sizes = [1, 2048], strides = [1, 1]} : vector<2x2048xf32> to vector<1x2048xf32>
    %squeeze3A = vector.shape_cast %slice3A : vector<1x2048xf32> to vector<2048xf32>
    %convert_element_type3A = arith.truncf %squeeze3A : vector<2048xf32> to vector<2048xbf16>
    %bitcast_convert_type3A = tpu.bitcast %convert_element_type3A : vector<2048xbf16> -> vector<2048xi16>
    %slice3A_11 = vector.extract_strided_slice %dot_general3A_10 {offsets = [1, 0], sizes = [1, 2048], strides = [1, 1]} : vector<2x2048xf32> to vector<1x2048xf32>
    %squeeze3A_12 = vector.shape_cast %slice3A_11 : vector<1x2048xf32> to vector<2048xf32>
    %convert_element_type3A_13 = arith.truncf %squeeze3A_12 : vector<2048xf32> to vector<2048xbf16>
    %bitcast_convert_type3A_14 = tpu.bitcast %convert_element_type3A_13 : vector<2048xbf16> -> vector<2048xi16>
    %convert_element_type3A_15 = arith.extui %bitcast_convert_type3A : vector<2048xi16> to vector<2048xi32>
    %convert_element_type3A_16 = arith.extui %bitcast_convert_type3A_14 : vector<2048xi16> to vector<2048xi32>
    %shift_left3A = arith.constant 16 : i32
    %shift_left3A_17 = vector.broadcast %shift_left3A : i32 to vector<2048xi32>
    %shift_left3A_18 = arith.shli %convert_element_type3A_16, %shift_left3A_17 : vector<2048xi32>
    %or3A = arith.ori %convert_element_type3A_15, %shift_left3A_18 : vector<2048xi32>
    %bitcast_convert_type3A_19 = tpu.bitcast %or3A : vector<2048xi32> -> vector<2048xi32>
    %swap3A = arith.constant 0 : index
    %swap3A_20 = vector.load %arg4[%swap3A] : memref<2048xi32, #tpu.memory_space<vmem>>, vector<2048xi32>
    tpu.vector_store %arg4[%swap3A], %bitcast_convert_type3A_19 {strides = array<i32>} : memref<2048xi32, #tpu.memory_space<vmem>>, vector<2048xi32>,
    return
  }
  func.func @transform_0(%arg0: i32) -> (i32, i32) {
    %c0_i32 = arith.constant 0 : i32
    %c0_i32_0 = arith.constant 0 : i32
    return %arg0, %c0_i32 : i32, i32
  }
  func.func @transform_1(%arg0: i32) -> (i32, i32) {
    %c0_i32 = arith.constant 0 : i32
    %c0_i32_0 = arith.constant 0 : i32
    %c0_i32_1 = arith.constant 0 : i32
    return %c0_i32, %c0_i32_0 : i32, i32
  }
  func.func @transform_2(%arg0: i32) -> (i32, i32) {
    %c0_i32 = arith.constant 0 : i32
    %c0_i32_0 = arith.constant 0 : i32
    %c0_i32_1 = arith.constant 0 : i32
    return %c0_i32, %c0_i32_0 : i32, i32
  }
  func.func @transform_3(%arg0: i32) -> i32 {
    %c0_i32 = arith.constant 0 : i32
    return %arg0 : i32
  }
}

</mosaic_0001>

<sc_bundles>
// kernel: kernel.4.cloned.1.call-start
scs
__scs_entry_jumppad:
0x0: {  	(pc) =	sbr.rel $0x88, $3  }
0x1: {  	(tag) =	ssettag $0x0;
	lr =	simm.s32 $0x1  }
0x2: {  	[smem:$0x3F9D] =	sst lr;
	_ =	strace $0xD0000000  }
0x3: {  	_ = 	snop  }
0x4: {  	_ = 	snop  }
0x5: {  	_ = 	snop  }
0x6: {  	_ = 	snop  }
0x7: {  	_ = 	snop  }
__scs_overlays_trampoline_lowered:
0x8: {  	[smem:$0x3FAC] =	sst s0  }
0x9: {  	[smem:$0x3FAD] =	sst s1  }
0xa: {  	[smem:$0x3FAE] =	sst s2  }
0xb: {  	[smem:$0x3FAF] =	sst s3  }
0xc: {  	[smem:$0x3FB0] =	sst s4  }
0xd: {  	[smem:$0x3FB1] =	sst s5  }
0xe: {  	[smem:$0x3FB2] =	sst s6  }
0xf: {  	[smem:$0x3FB3] =	sst s7  }
0x10: {  	[smem:$0x3FB4] =	sst s8  }
0x11: {  	[smem:$0x3FB5] =	sst s9;
	s0 =	simm.s32 @!p0 $0x0  }
0x12: {  	s1 =	sld [smem:$0x3F9B];
	s0 =	simm.s32 @p0 $0x1  }
0x13: {  	[smem:$0x3FB6] =	sst s0;
	s0 =	simm.s32 @!p1 $0x0  }
0x14: {  	s2 =	sld [smem:$0x3F9A];
	s0 =	simm.s32 @p1 $0x1  }
0x15: {  	[smem:$0x3FB7] =	sst s0;
	s0 =	simm.s32 @!p2 $0x0  }
0x16: {  	s3 =	sld [smem:$0x3FDB];
	s0 =	simm.s32 @p2 $0x1  }
0x17: {  	s4 =	simm.s32 $0x1BF5;
	[smem:$0x3FB9] =	sst s0  }
0x18: {  	s0 =	sld [smem:$0x3F9C];
	_ =	swait.ge [sflag:s4], $0x0  }
0x19: {  	s7 =	sld [smem:$0x3F9D]  }
0x1a: {  	s8 =	sadd.s32 $0xFFFFE003, lr  }
0x1b: {  	s9 =	sadd.s32 $0xFFFFFEF7, lr;
	s5 =	simm.s32 $0xFFFFFFFF;
	p2 =	slt.u32 s8, $0xFFFFF086  }
0x1c: {  	p1 =	slt.u32 s9, $0xF7A;
	s5 =	simm.s32 @!p2 $0x0  }
0x1d: {  	s5 =	simm.s32 @p1 $0x1;
	p0 =	seq.s32 s7, s2  }
0x1e: {  	s7 =	smul.u32 @!p0 $0xF7A, s2;
	p2 =	seq.s32 @!p0 s5, $0x0  }
0x1f: {  	s9 =	smul.u32 $0xF7A, s1;
	s8 =	simm.s32 @!p0 $0x1BF5;
	p2 =	por !p2, p0  }
0x20: {  	[sflag:s8] =	ssyncset.s32 @!p0 $0xFFFFF086;
	s6 =	sadd.s32 @!p0 s3, s7;
	s7 =	simm.s32 @!p0 $0x108  }
0x21: {  	s3 =	sadd.s32 s3, s9;
	s6 =	sadd.s32 @!p0 $0x88, s6;
	s7 =	simm.s32 @p2 $0x1082  }
0x22: {  	[simem:s7], [sflag:s8] =	dma.local @!p0 [hbm:s6], $0xF7A  }
0x23: {  	s9 =	sor.u32 $0xD0000000, s2;
	s6 =	simm.s32 $0x108;
	_ =	swait.ge @!p0 [sflag:s8], $0x0  }
0x24: {  	s3 =	sadd.s32 $0x88, s3;
	s6 =	simm.s32 @!p1 $0x1082;
	[sflag:s4] =	ssyncset.s32 $0xFFFFF086  }
0x25: {  	[simem:s6], [sflag:s4] =	dma.local [hbm:s3], $0xF7A  }
0x26: {  	[smem:$0x3F9D] =	sst s1;
	(tag) =	ssettag s2;
	_ =	strace s9  }
0x27: {  	s1 =	sld [smem:$0x3FAD]  }
0x28: {  	s2 =	sld [smem:$0x3FAE]  }
0x29: {  	s4 =	sld [smem:$0x3FB0]  }
0x2a: {  	p0 =	seq.s32 s5, $0x0;
	s5 =	sld [smem:$0x3FB1]  }
0x2b: {  	s6 =	sld [smem:$0x3FB2]  }
0x2c: {  	s7 =	sld [smem:$0x3FB3]  }
0x2d: {  	s3 =	simm.s32 $0x108;
	s8 =	sld [smem:$0x3FB4]  }
0x2e: {  	s3 =	simm.s32 @!p0 $0x1082;
	s9 =	sld [smem:$0x3FB5]  }
0x2f: {  	lr =	sadd.s32 s0, s3;
	s0 =	sld [smem:$0x3FAC]  }
0x30: {  	s3 =	sld [smem:$0x3FAF]  }
0x31: {  	[smem:$0x3FB8] =	sst s10  }
0x32: {  	s10 =	sld [smem:$0x3FB6];
	_ =	sdelay $0x3  }
0x33: {  	p0 =	seq.s32 s10, $0x1;
	s10 =	sld [smem:$0x3FB8];
	_ =	sdelay $0x3  }
0x34: {  	[smem:$0x3FB8] =	sst s10  }
0x35: {  	s10 =	sld [smem:$0x3FB7];
	_ =	sdelay $0x3  }
0x36: {  	p1 =	seq.s32 s10, $0x1;
	s10 =	sld [smem:$0x3FB8];
	_ =	sdelay $0x3  }
0x37: {  	[smem:$0x3FB8] =	sst s10  }
0x38: {  	s10 =	sld [smem:$0x3FB9]  }
0x39: {  	_ = 	snop;
	(pc) =	sbr.ind lr, $3  }
0x3a: {  	_ = 	snop  }
0x3b: {  	_ = 	snop  }
0x3c: {  	p2 =	seq.s32 s10, $0x1;
	s10 =	sld [smem:$0x3FB8]  }
0x3d: {  	_ =	shalt  }
0x3e: {  	_ =	shalt  }
0x3f: {  	_ =	shalt  }
0x40: {  	_ =	shalt  }
0x41: {  	_ =	shalt  }
0x42: {  	_ =	shalt  }
0x43: {  	_ =	shalt  }
0x44: {  	_ =	shalt  }
0x45: {  	_ =	shalt  }
0x46: {  	_ =	shalt  }
0x47: {  	_ =	shalt  }
0x48: {  	_ =	shalt  }
0x49: {  	_ =	shalt  }
0x4a: {  	_ =	shalt  }
0x4b: {  	_ =	shalt  }
0x4c: {  	_ =	shalt  }
0x4d: {  	_ =	shalt  }
0x4e: {  	_ =	shalt  }
0x4f: {  	_ =	shalt  }
0x50: {  	_ =	shalt  }
0x51: {  	_ =	shalt  }
0x52: {  	_ =	shalt  }
0x53: {  	_ =	shalt  }
0x54: {  	_ =	shalt  }
0x55: {  	_ =	shalt  }
0x56: {  	_ =	shalt  }
0x57: {  	_ =	shalt  }
0x58: {  	_ =	shalt  }
0x59: {  	_ =	shalt  }
0x5a: {  	_ =	shalt  }
0x5b: {  	_ =	shalt  }
0x5c: {  	_ =	shalt  }
0x5d: {  	_ =	shalt  }
0x5e: {  	_ =	shalt  }
0x5f: {  	_ =	shalt  }
0x60: {  	_ =	shalt  }
0x61: {  	_ =	shalt  }
0x62: {  	_ =	shalt  }
0x63: {  	_ =	shalt  }
0x64: {  	_ =	shalt  }
0x65: {  	_ =	shalt  }
0x66: {  	_ =	shalt  }
0x67: {  	_ =	shalt  }
0x68: {  	_ =	shalt  }
0x69: {  	_ =	shalt  }
0x6a: {  	_ =	shalt  }
0x6b: {  	_ =	shalt  }
0x6c: {  	_ =	shalt  }
0x6d: {  	_ =	shalt  }
0x6e: {  	_ =	shalt  }
0x6f: {  	_ =	shalt  }
0x70: {  	_ =	shalt  }
0x71: {  	_ =	shalt  }
0x72: {  	_ =	shalt  }
0x73: {  	_ =	shalt  }
0x74: {  	_ =	shalt  }
0x75: {  	_ =	shalt  }
0x76: {  	_ =	shalt  }
0x77: {  	_ =	shalt  }
0x78: {  	_ =	shalt  }
0x79: {  	_ =	shalt  }
0x7a: {  	_ =	shalt  }
0x7b: {  	_ =	shalt  }
0x7c: {  	_ =	shalt  }
0x7d: {  	_ =	shalt  }
0x7e: {  	_ =	shalt  }
0x7f: {  	_ =	shalt  }
0x80: {  	_ =	shalt  }
0x81: {  	_ =	shalt  }
0x82: {  	_ =	shalt  }
0x83: {  	_ =	shalt  }
0x84: {  	_ =	shalt  }
0x85: {  	_ =	shalt  }
0x86: {  	_ =	shalt  }
0x87: {  	_ =	shalt  }
.Lfunc_end0:
.L_simem_size_0:
called_computation_lowered:
.L_overlay_start_0:
0x88: {  	s2 =	sld [smem:$0x3FD9]  }
0x89: {  	s3 =	sld [smem:$0x3FFE];
	_ =	sdelay $0x1  }
0x8a: {  	s1 =	srdreg.scid  }
0x8b: {  	s0 =	sand.u32 $0x1, s1  }
0x8c: {  	s17 =	sshll.u32 s0, $0xA;
	s2 =	sadd.s32 s3, s2  }
0x8d: {  	s2 =	sadd.s32 s2, s17  }
0x8e: {  	[smem:$0x3FC4] =	sst s2  }
0x8f: {  	_ = 	snop  }
0x90: {  	s2 =	sld [smem:$0x3FC8]  }
0x91: {  	s18 =	sld [smem:$0x3FD0];
	(tm) =	ssettm $0x1  }
0x92: {  	s4 =	sld [smem:$0x3FFB];
	_ =	sdelay $0x3  }
0x93: {  	_ =	strace s4  }
0x94: {  	s4 =	sld [smem:$0x3FFC];
	_ =	sdelay $0x3  }
0x95: {  	_ =	strace s4  }
0x96: {  	s4 =	sld [smem:$0x3FFD];
	_ =	sdelay $0x3  }
0x97: {  	_ =	strace s4  }
0x98: {  	_ =	strace $0x8FFFFFFF  }
0x99: {  	s19 =	sld [smem:$0x3FDB];
	_ =	sdelay $0x1  }
0x9a: {  	s5 =	simm.s32 $_scs_section_size  }
0x9b: {  	s6 =	simm.s32 $_size__tile_overlayer_lowered;
	s7 =	simm.s32 $_tile_overlayer_lowered  }
0x9c: {  	s22 =	simm.s32 $0x1BFF;
	s21 =	sshll.u32 s7, $0x1;
	s4 =	sadd.s32 s5, s19  }
0x9d: {  	s8 =	simm.s32 $0x0;
	s20 =	sshll.u32 s6, $0x1;
	s6 =	sadd.s32 s21, s4  }
0x9e: {  	[timem:s8], [sflag:s22] =	dma.local [hbm:s6], s20  }
0x9f: {  	_ =	swait.ge [sflag:s22], s20  }
0xa0: {  	s5 =	ssub.s32 $0x0, s20;
	[sflag:s22] =	ssyncset.done $0x0  }
0xa1: {  	[sflag:s22] =	ssyncadd.s32 s5;
	_ =	sdelay $0x1  }
0xa2: {  	s23 =	simm.s32 $0x1B8B  }
0xa3: {  	_ =	swait.ge [sflag:s23], $0x1  }
0xa4: {  	[sflag:s23] =	ssyncset.done $0x0  }
0xa5: {  	s25 =	simm.s32 $0x1B8E;
	s24 =	sld [smem:$0x3FFE];
	[sflag:s23] =	ssyncadd.s32 $0xFFFFFFFF  }
0xa6: {  	s26 =	simm.s32 $execute0_lowered;
	[smem:$0x3FD2] =	sst s25  }
0xa7: {  	s6 =	sshll.u32 s26, $0x1;
	_ =	strace $0x80000046;
	[dreg:$0x1] =	wrdreg $0xFFFFFFFF  }
0xa8: {  	s28 =	simm.s32 $_size_execute0_lowered;
	s4 =	sadd.s32 s4, s6;
	[dreg:$0x0] =	wrdreg $0x0  }
0xa9: {  	s6 =	sshll.u32 s28, $0x1;
	[dreg:$0x2] =	wrdreg s4  }
0xaa: {  	[dreg:$0x3] =	wrdreg s6  }
0xab: {  	[dreg:$0x4] =	wrdreg $0xC0  }
0xac: {  	_ =	task [dreg:s8], $0x5FFFF  }
0xad: {  	[dreg:$0x1] =	wrdreg $0xFFFFFFFF  }
0xae: {  	[dreg:$0x0] =	wrdreg $0x60  }
0xaf: {  	[dreg:$0x2] =	wrdreg s18  }
0xb0: {  	[dreg:$0x3] =	wrdreg s2  }
0xb1: {  	[dreg:$0x4] =	wrdreg s24  }
0xb2: {  	[dreg:$0x5] =	wrdreg $0x9  }
0xb3: {  	_ =	task.clear_ibuf [dreg:s8], $0x6FFFF;
	_ =	strace $0x90000046  }
0xb4: {  	s29 =	simm.s32 $0x9;
	_ =	strace $0x80000048  }
0xb5: {  	_ =	swait.ge [sflag:s29], $0x1  }
0xb6: {  	[sflag:s29] =	ssyncadd.s32 $0xFFFFFFFF  }
0xb7: {  	_ =	strace $0x90000048  }
0xb8: {  	_ =	sfence  }
0xb9: {  	s30 =	sld [smem:$0x0];
	_ =	sdelay $0x2  }
0xba: {  	s31 =	sshll.u32 s1, $0xD;
	s1 =	sshrl.u32 s1, $0x2  }
0xbb: {  	s3 =	sand.u32 $0x4000, s31;
	s1 =	sadd.s32 s1, s30  }
0xbc: {  	s0 =	sor.u32 s3, s0;
	s1 =	sshll.u32 s1, $0x11  }
0xbd: {  	s0 =	sor.u32 s1, s0  }
0xbe: {  	s0 =	sadd.s32 $0x8F2B, s0  }
0xbf: {  	[sflag:s0] =	ssyncadd.remote.s32 $0x1  }
0xc0: {  	_ =	sfence.sel $0xFFFF  }
0xc1: {  	[dreg:$0x0] =	wrdreg $0xFFFFFFFF;
	(pc) =	sbr.abs _section_cstart, $3  }
0xc2: {  	[dreg:$0x1] =	wrdreg $0xFFFFFFFF  }
0xc3: {  	_ =	task.clear_ibuf [dreg:s8], $0x2FFFF;
	_ =	strace $0x9FFFFFFF  }
0xc4: {  	(tm) =	ssettm $0x7FFFFFFF  }
0xc5: {  	_ =	shalt  }
tec
execute0_lowered:
.L_overlay_start_1:
0x0: {  	(tag) =	ssettag $0x1  }
0x1: {  	s2 =	srdreg.scid;
	s0 =	stileid.u32  }
0x2: {  	s4 =	sand.u32 $0x1, s2;
	s29 =	sshll.u32 s0, $0x1  }
0x3: {  	s1 =	rddreg [dreg:$0x0];
	s2 =	sor.u32 s4, s29  }
0x4: {  	s5 =	rddreg [dreg:$0x1];
	s7 =	smul.u32 $0x2710, s2  }
0x5: {  	s6 =	rddreg [dreg:$0x2];
	s3 =	simm.s32 $0x0;
	s12 =	simm.s32 $0x3  }
0x6: {  	s13 =	simm.s32 $0x0;
	s9 =	smul.u32 $0x4E20, s0;
	s8 =	sand.u32 $0x7FF80, s7  }
0x7: {  	[smem:$0x7FF] =	sst s3;
	s11 =	smul.u32 $0x2710, s4;
	s8 =	smin.u32 s8, $0x4BA00  }
0x8: {  	s4 =	ssub.s32 $0x2, s4;
	s10 =	sshrl.u32 s7, $0x3;
	s7 =	ssub.s32 s7, s8  }
0x9: {  	s2 =	rddreg [dreg:$0x3];
	s9 =	sadd.s32 s11, s9;
	s7 =	sadd.s32 $0x2700, s7  }
0xa: {  	v0 =	vlaneseq.u32;
	_ =	strace $0x80000047;
	s30 =	sshrl.u32 s4, $0x1;
	s11 =	sand.u32 $0xFFF80, s9;
	v1 =	vmov s7  }
0xb: {  	s6 =	sadd.s32 s10, s6;
	s10 =	ssub.s32 s4, s30;
	s8 =	sshrl.u32 s8, $0x2;
	v2 =	vor.u32 s7, v0;
	v1 =	vshll.u32 v1, $0x1  }
0xc: {  	s31 =	smin.u32 s11, $0x4BA00;
	s11 =	simm.s32 $0x7800;
	s4 =	sadd.s32 s5, s8;
	v2 =	vand.u32 $0x7F, v2;
	v1 =	vand.u32 $0xFFFFFF00, v1  }
0xd: {  	s5 =	sadd.s32 $0xC00, s6;
	s6 =	smax.u32 s10, $0x1;
	s8 =	simm.s32 $0x2800;
	v1 =	vor.u32 v2, v1  }
0xe: {  	s10 =	simm.s32 $0x2;
	s7 =	ssub.s32 s9, s31;
	s9 =	simm.s32 $0x1;
	v2 =	vor.u32 $0x80, v1  }
.LBB2_1:
0xf: {  	s14 =	sadd.s32 $0xFFFFFF80, s7  }
0x10: {  	s15 =	sadd.s32 $0xF0, s14  }
0x11: {  	s21 =	sadd.s32 $0x80, s14;
	s16 =	sadd.s32 $0x90, s14;
	s17 =	sadd.s32 $0xA0, s14;
	v3 =	vmov s15;
	v4 =	vor.u32 s15, v0  }
0x12: {  	s22 =	sadd.s32 $0xB0, s14;
	s18 =	sadd.s32 $0xC0, s14;
	s19 =	sadd.s32 $0xD0, s14;
	v6 =	vor.u32 s21, v0;
	v7 =	vmov s16;
	v8 =	vmov s17  }
0x13: {  	s14 =	sadd.s32 $0xE0, s14;
	v9 =	vmov s22;
	v10 =	vmov s18;
	v11 =	vmov s19  }
0x14: {  	v12 =	vmov s14;
	v13 =	vor.u32 s16, v0;
	v14 =	vor.u32 s17, v0  }
0x15: {  	[tilespmem:s3], [sflag:$0x1] =	stream.linear.gather [hbm4b:s1+s3], $0x2800, $0x38;
	v15 =	vor.u32 s22, v0;
	v16 =	vor.u32 s18, v0;
	v17 =	vor.u32 s19, v0;
	[tilespmem:$0x9F80] =	vst v63  }
0x16: {  	v3 =	vshll.u32 v3, $0x1;
	v4 =	vand.u32 $0x7F, v4;
	v7 =	vshll.u32 v7, $0x1  }
0x17: {  	[tilespmem:s8], [sflag:$0x2] =	stream.linear.gather [hbm4b:s4+s3], $0x5000, $0x38;
	v8 =	vshll.u32 v8, $0x1;
	v10 =	vshll.u32 v10, $0x1;
	v11 =	vshll.u32 v11, $0x1;
	[tilespmem:$0x9F80] =	vst v63  }
0x18: {  	_ =	swait.ge [sflag:s9], $0x2800;
	v12 =	vshll.u32 v12, $0x1;
	v13 =	vand.u32 $0x7F, v13;
	v3 =	vand.u32 $0xFFFFFF00, v3  }
0x19: {  	[sflag:s9] =	ssyncset.done $0x0;
	v7 =	vand.u32 $0xFFFFFF00, v7;
	v3 =	vor.u32 v4, v3;
	v4 =	vmov s21  }
0x1a: {  	v6 =	vand.u32 $0x7F, v6;
	[sflag:s9] =	ssyncadd.s32 $0xFFFFD800;
	v7 =	vor.u32 v13, v7;
	v4 =	vshll.u32 v4, $0x1  }
0x1b: {  	v8 =	vand.u32 $0xFFFFFF00, v8;
	_ =	swait.ge [sflag:s10], $0x5000;
	v5 =	vor.u32 $0x80, v3;
	v4 =	vand.u32 $0xFFFFFF00, v4  }
0x1c: {  	[sflag:s10] =	ssyncset.done $0x0;
	v4 =	vor.u32 v6, v4;
	v6 =	vand.u32 $0xFFFFFF00, v10;
	v10 =	vand.u32 $0xFFFFFF00, v11  }
0x1d: {  	[sflag:s10] =	ssyncadd.s32 $0xFFFFB000;
	v11 =	vand.u32 $0xFFFFFF00, v12;
	v12 =	vand.u32 $0x7F, v14;
	v13 =	vor.u32 $0x80, v4  }
0x1e: {  	v9 =	vshll.u32 v9, $0x1;
	v8 =	vor.u32 v12, v8;
	v12 =	vor.u32 $0x80, v7;
	v3 =	vld.idx.msk [tilespmem:v3+s8+$0x0], $0xffff  }
0x1f: {  	v18 =	vor.u32 s14, v0;
	v9 =	vand.u32 $0xFFFFFF00, v9;
	v14 =	vand.u32 $0x7F, v15;
	v7 =	vld.idx.msk [tilespmem:v7+s8+$0x0], $0xffff  }
0x20: {  	v15 =	vand.u32 $0x7F, v16;
	v16 =	vand.u32 $0x7F, v17;
	v9 =	vor.u32 v14, v9;
	v5 =	vld.idx.msk [tilespmem:v5+s8+$0x0], $0xffff  }
0x21: {  	v17 =	vand.u32 $0x7F, v18;
	v10 =	vor.u32 v16, v10;
	v4 =	vld.idx.msk [tilespmem:v4+s8+$0x0], $0xffff  }
0x22: {  	v11 =	vor.u32 v17, v11;
	v13 =	vld.idx.msk [tilespmem:v13+s8+$0x0], $0xffff  }
0x23: {  	v14 =	vor.u32 $0x80, v8;
	v12 =	vld.idx.msk [tilespmem:v12+s8+$0x0], $0xffff  }
0x24: {  	v6 =	vor.u32 v15, v6;
	v15 =	vor.u32 $0x80, v9;
	v8 =	vld.idx.msk [tilespmem:v8+s8+$0x0], $0xffff  }
0x25: {  	v16 =	vor.u32 $0x80, v6;
	v9 =	vld.idx.msk [tilespmem:v9+s8+$0x0], $0xffff  }
0x26: {  	v17 =	vor.u32 $0x80, v10;
	v10 =	vld.idx.msk [tilespmem:v10+s8+$0x0], $0xffff  }
0x27: {  	v18 =	vor.u32 $0x80, v11;
	v11 =	vld.idx.msk [tilespmem:v11+s8+$0x0], $0xffff  }
0x28: {  	v14 =	vld.idx.msk [tilespmem:v14+s8+$0x0], $0xffff  }
0x29: {  	v15 =	vld.idx.msk [tilespmem:v15+s8+$0x0], $0xffff  }
0x2a: {  	v16 =	vld.idx.msk [tilespmem:v16+s8+$0x0], $0xffff  }
0x2b: {  	s23 =	sadd.s32 $0x0, s7;
	v17 =	vld.idx.msk [tilespmem:v17+s8+$0x0], $0xffff  }
0x2c: {  	s24 =	sadd.s32 $0xF0, s23;
	v18 =	vld.idx.msk [tilespmem:v18+s8+$0x0], $0xffff  }
0x2d: {  	s26 =	sadd.s32 $0x90, s23;
	s28 =	sadd.s32 $0xA0, s23;
	s29 =	sadd.s32 $0xB0, s23;
	v19 =	vmov s24;
	v20 =	vor.u32 s24, v0;
	v3 =	vld.idx.msk [tilespmem:v3+s3+$0x0], $0xffff  }
0x2e: {  	s30 =	sadd.s32 $0xC0, s23;
	s31 =	sadd.s32 $0xD0, s23;
	v21 =	vmov s26;
	v22 =	vmov s28;
	v23 =	vmov s29;
	v5 =	vld.idx.msk [tilespmem:v5+s3+$0x0], $0xffff  }
0x2f: {  	v24 =	vmov s30;
	v25 =	vmov s31;
	v27 =	vor.u32 s26, v0;
	v7 =	vld.idx.msk [tilespmem:v7+s3+$0x0], $0xffff  }
0x30: {  	v28 =	vor.u32 s28, v0;
	v29 =	vor.u32 s29, v0;
	v30 =	vor.u32 s30, v0;
	v4 =	vld.idx.msk [tilespmem:v4+s3+$0x0], $0xffff  }
0x31: {  	v32 =	vor.u32 s31, v0;
	v19 =	vshll.u32 v19, $0x1;
	v21 =	vshll.u32 v21, $0x1;
	v13 =	vld.idx.msk [tilespmem:v13+s3+$0x0], $0xffff  }
0x32: {  	v22 =	vshll.u32 v22, $0x1;
	v23 =	vshll.u32 v23, $0x1;
	v24 =	vshll.u32 v24, $0x1;
	v8 =	vld.idx.msk [tilespmem:v8+s3+$0x0], $0xffff  }
0x33: {  	v25 =	vshll.u32 v25, $0x1;
	v9 =	vld.idx.msk [tilespmem:v9+s3+$0x0], $0xffff;
	v3 =	vshll.u32 v3, $0x10;
	v5 =	vand.u32 $0xFFFF0000, v5  }
0x34: {  	v19 =	vand.u32 $0xFFFFFF00, v19;
	v3 =	vadd.f32 v5, v3;
	v5 =	vld.idx.msk [tilespmem:v6+s8+$0x0], $0xffff;
	v6 =	vand.u32 $0x7F, v20  }
0x35: {  	v27 =	vand.u32 $0x7F, v27;
	v28 =	vand.u32 $0x7F, v28;
	v10 =	vld.idx.msk [tilespmem:v10+s3+$0x0], $0xffff;
	v6 =	vor.u32 v6, v19  }
0x36: {  	v29 =	vand.u32 $0x7F, v29;
	v30 =	vand.u32 $0x7F, v30;
	v11 =	vld.idx.msk [tilespmem:v11+s3+$0x0], $0xffff;
	v20 =	vor.u32 $0x80, v6  }
0x37: {  	v32 =	vand.u32 $0x7F, v32;
	v21 =	vand.u32 $0xFFFFFF00, v21;
	v22 =	vand.u32 $0xFFFFFF00, v22;
	v14 =	vld.idx.msk [tilespmem:v14+s3+$0x0], $0xffff  }
0x38: {  	v23 =	vand.u32 $0xFFFFFF00, v23;
	v24 =	vand.u32 $0xFFFFFF00, v24;
	v25 =	vand.u32 $0xFFFFFF00, v25;
	v15 =	vld.idx.msk [tilespmem:v15+s3+$0x0], $0xffff  }
0x39: {  	v21 =	vor.u32 v27, v21;
	v27 =	vor.u32 v28, v22;
	v28 =	vor.u32 v29, v23;
	v17 =	vld.idx.msk [tilespmem:v17+s3+$0x0], $0xffff  }
0x3a: {  	s14 =	sadd.s32 $0xE0, s23;
	v29 =	vor.u32 v30, v24;
	v32 =	vor.u32 v32, v25;
	v24 =	vor.u32 $0x80, v21;
	v6 =	vld.idx.msk [tilespmem:v6+s8+$0x0], $0xffff  }
0x3b: {  	v26 =	vmov s14;
	v30 =	vor.u32 $0x80, v32;
	v19 =	vmul.f32 $2.000000030e-01, v3;
	v20 =	vld.idx.msk [tilespmem:v20+s8+$0x0], $0xffff  }
0x3c: {  	s25 =	sadd.s32 $0x80, s23;
	v26 =	vshll.u32 v26, $0x1;
	v16 =	vld.idx.msk [tilespmem:v16+s3+$0x0], $0xffff;
	vm0 =	vge.f32 v3, $0.0e+00  }
0x3d: {  	v26 =	vand.u32 $0xFFFFFF00, v26;
	v31 =	vsel vm0, v3, v19;
	v3 =	vld.idx.msk [tilespmem:v12+s3+$0x0], $0xffff;
	v12 =	vmov s25  }
0x3e: {  	v25 =	vor.u32 $0x80, v28;
	v18 =	vld.idx.msk [tilespmem:v18+s3+$0x0], $0xffff;
	v19 =	vor.u32 s25, v0;
	v12 =	vshll.u32 v12, $0x1  }
0x3f: {  	v38 =	vand.u32 $0xFFFF0000, v17;
	v17 =	vld.idx.msk [tilespmem:v24+s8+$0x0], $0xffff;
	v19 =	vand.u32 $0x7F, v19;
	v12 =	vand.u32 $0xFFFFFF00, v12  }
0x40: {  	v7 =	vshll.u32 v7, $0x10;
	v36 =	vand.u32 $0xFFFF0000, v15;
	v15 =	vld.idx.msk [tilespmem:v30+s8+$0x0], $0xffff;
	v12 =	vor.u32 v19, v12  }
0x41: {  	v4 =	vshll.u32 v4, $0x10;
	v10 =	vshll.u32 v10, $0x10;
	v22 =	vld.idx.msk [tilespmem:v5+s3+$0x0], $0xffff;
	v23 =	vor.u32 $0x80, v12  }
0x42: {  	v13 =	vand.u32 $0xFFFF0000, v13;
	v8 =	vshll.u32 v8, $0x10;
	v24 =	vadd.f32 v38, v10;
	v6 =	vld.idx.msk [tilespmem:v6+s3+$0x0], $0xffff  }
0x43: {  	v9 =	vshll.u32 v9, $0x10;
	v37 =	vand.u32 $0xFFFF0000, v16;
	v19 =	vor.u32 s14, v0;
	v20 =	vld.idx.msk [tilespmem:v20+s3+$0x0], $0xffff  }
0x44: {  	v39 =	vand.u32 $0xFFFF0000, v18;
	v10 =	vld.idx.msk [tilespmem:v32+s8+$0x0], $0xffff;
	v30 =	vmul.f32 $2.000000030e-01, v24;
	v19 =	vand.u32 $0x7F, v19  }
0x45: {  	vm6 =	vge.f32 v24, $0.0e+00;
	v33 =	vor.u32 v19, v26;
	v19 =	vor.u32 $0x80, v27;
	v5 =	vld.idx.msk [tilespmem:v12+s8+$0x0], $0xffff  }
0x46: {  	v26 =	vor.u32 $0x80, v29;
	v16 =	vld.idx.msk [tilespmem:v23+s8+$0x0], $0xffff;
	v18 =	vshll.u32 v22, $0x10;
	v23 =	vadd.f32 v36, v9  }
0x47: {  	v3 =	vand.u32 $0xFFFF0000, v3;
	v35 =	vor.u32 $0x80, v33;
	v12 =	vld.idx.msk [tilespmem:v25+s8+$0x0], $0xffff;
	v22 =	vadd.f32 v37, v18  }
0x48: {  	v9 =	vld.idx.msk [tilespmem:v27+s8+$0x0], $0xffff;
	v27 =	vmul.f32 $2.000000030e-01, v23;
	v6 =	vshll.u32 v6, $0x10;
	v20 =	vand.u32 $0xFFFF0000, v20  }
0x49: {  	vm3 =	vge.f32 v23, $0.0e+00;
	v34 =	vadd.f32 v20, v6;
	v6 =	vld.idx.msk [tilespmem:v21+s8+$0x0], $0xffff;
	v21 =	vand.u32 $0xFFFF0000, v14  }
0x4a: {  	v14 =	vld.idx.msk [tilespmem:v19+s8+$0x0], $0xffff;
	v19 =	vadd.f32 v13, v4;
	v4 =	vshll.u32 v11, $0x10;
	v20 =	vadd.f32 v3, v7  }
0x4b: {  	vm5 =	vge.f32 v22, $0.0e+00;
	v13 =	vld.idx.msk [tilespmem:v26+s8+$0x0], $0xffff;
	v21 =	vadd.f32 v21, v8;
	v3 =	vadd.f32 v39, v4  }
0x4c: {  	v8 =	vld.idx.msk [tilespmem:v29+s8+$0x0], $0xffff;
	v29 =	vmul.f32 $2.000000030e-01, v22;
	v7 =	vmul.f32 $2.000000030e-01, v34;
	vm0 =	vge.f32 v34, $0.0e+00  }
0x4d: {  	s15 =	simm.s32 $0x7840;
	v18 =	vld.idx.msk [tilespmem:v35+s8+$0x0], $0xffff;
	v26 =	vmul.f32 $2.000000030e-01, v19;
	v25 =	vmul.f32 $2.000000030e-01, v20;
	vm1 =	vge.f32 v19, $0.0e+00  }
0x4e: {  	[tilespmem:s15+$0x30] =	vst v31;
	s14 =	simm.s32 $0x78C0;
	vm2 =	vge.f32 v20, $0.0e+00;
	v11 =	vsel vm0, v34, v7;
	v7 =	vld.idx.msk [tilespmem:v28+s8+$0x0], $0xffff;
	v28 =	vmul.f32 $2.000000030e-01, v21  }
0x4f: {  	s16 =	simm.s32 $0x80;
	vm4 =	vge.f32 v21, $0.0e+00;
	v4 =	vmul.f32 $2.000000030e-01, v3;
	vm0 =	vge.f32 v3, $0.0e+00;
	[tilespmem:s14+$0x30] =	vst v11;
	v11 =	vld.idx.msk [tilespmem:v33+s8+$0x0], $0xffff  }
.LBB2_2:
0x50: {  	s17 =	sadd.s32 s16, s7;
	s16 =	sadd.s32 $0x80, s16;
	v16 =	vld.idx.msk [tilespmem:v16+s3+$0x0], $0xffff;
	v19 =	vsel vm1, v19, v26;
	v20 =	vsel vm2, v20, v25;
	v21 =	vsel vm4, v21, v28  }
0x51: {  	v23 =	vsel vm3, v23, v27;
	v22 =	vsel vm5, v22, v29;
	v24 =	vsel vm6, v24, v30;
	s18 =	sadd.s32 $0x80, s17;
	s19 =	sadd.s32 $0xF0, s17;
	p0 =	slt.u32 s16, $0x2680;
	v17 =	vld.idx.msk [tilespmem:v17+s3+$0x0], $0xffff  }
0x52: {  	s20 =	sadd.s32 $0xA0, s17;
	s21 =	sadd.s32 $0xB0, s17;
	v25 =	vmov s18;
	v26 =	vor.u32 s18, v0;
	s18 =	sadd.s32 $0x90, s17;
	v27 =	vmov s19;
	v14 =	vld.idx.msk [tilespmem:v14+s3+$0x0], $0xffff;
	[tilespmem:s15+$0xFFFFFFC0] =	vst v19  }
0x53: {  	s22 =	sadd.s32 $0xC0, s17;
	s23 =	sadd.s32 $0xD0, s17;
	s17 =	sadd.s32 $0xE0, s17;
	v28 =	vor.u32 s19, v0;
	v19 =	vmov s18;
	v27 =	vshll.u32 v27, $0x1;
	v12 =	vld.idx.msk [tilespmem:v12+s3+$0x0], $0xffff;
	[tilespmem:s15+$0xFFFFFFD0] =	vst v20  }
0x54: {  	v20 =	vmov s20;
	v28 =	vand.u32 $0x7F, v28;
	v27 =	vand.u32 $0xFFFFFF00, v27;
	v13 =	vld.idx.msk [tilespmem:v13+s3+$0x0], $0xffff;
	[tilespmem:s15+$0xFFFFFFE0] =	vst v21  }
0x55: {  	v29 =	vmov s22;
	v21 =	vmov s21;
	v27 =	vor.u32 v28, v27;
	v15 =	vld.idx.msk [tilespmem:v15+s3+$0x0], $0xffff;
	[tilespmem:s15+$0xFFFFFFF0] =	vst v23  }
0x56: {  	v23 =	vmov s23;
	v28 =	vmov s17;
	v30 =	vor.u32 $0x80, v27;
	v18 =	vld.idx.msk [tilespmem:v18+s3+$0x0], $0xffff;
	[tilespmem:s15+$0x0] =	vst v22  }
0x57: {  	v19 =	vshll.u32 v19, $0x1;
	v20 =	vshll.u32 v20, $0x1;
	v22 =	vshll.u32 v25, $0x1;
	v25 =	vld.idx.msk [tilespmem:v5+s3+$0x0], $0xffff;
	[tilespmem:s15+$0x10] =	vst v24  }
0x58: {  	v23 =	vshll.u32 v23, $0x1;
	v5 =	vshll.u32 v21, $0x1;
	v21 =	vshll.u32 v29, $0x1;
	v24 =	vld.idx.msk [tilespmem:v6+s3+$0x0], $0xffff  }
0x59: {  	v28 =	vshll.u32 v28, $0x1;
	v29 =	vor.u32 s20, v0;
	v6 =	vor.u32 s18, v0;
	v9 =	vld.idx.msk [tilespmem:v9+s3+$0x0], $0xffff  }
0x5a: {  	v31 =	vor.u32 s21, v0;
	v32 =	vor.u32 s22, v0;
	v33 =	vor.u32 s23, v0;
	v27 =	vld.idx.msk [tilespmem:v27+s8+$0x0], $0xffff  }
0x5b: {  	v34 =	vor.u32 s17, v0;
	v19 =	vand.u32 $0xFFFFFF00, v19;
	v22 =	vand.u32 $0xFFFFFF00, v22;
	v30 =	vld.idx.msk [tilespmem:v30+s8+$0x0], $0xffff  }
0x5c: {  	v20 =	vand.u32 $0xFFFFFF00, v20;
	v5 =	vand.u32 $0xFFFFFF00, v5;
	v21 =	vand.u32 $0xFFFFFF00, v21;
	v7 =	vld.idx.msk [tilespmem:v7+s3+$0x0], $0xffff  }
0x5d: {  	v26 =	vand.u32 $0x7F, v26;
	v23 =	vand.u32 $0xFFFFFF00, v23;
	v28 =	vand.u32 $0xFFFFFF00, v28;
	v8 =	vld.idx.msk [tilespmem:v8+s3+$0x0], $0xffff  }
0x5e: {  	v31 =	vand.u32 $0x7F, v31;
	v29 =	vand.u32 $0x7F, v29;
	v6 =	vand.u32 $0x7F, v6;
	v10 =	vld.idx.msk [tilespmem:v10+s3+$0x0], $0xffff  }
0x5f: {  	v32 =	vand.u32 $0x7F, v32;
	v33 =	vand.u32 $0x7F, v33;
	v34 =	vand.u32 $0x7F, v34;
	v11 =	vld.idx.msk [tilespmem:v11+s3+$0x0], $0xffff  }
0x60: {  	v22 =	vor.u32 v26, v22;
	v26 =	vor.u32 v29, v20;
	v6 =	vor.u32 v6, v19  }
0x61: {  	v29 =	vor.u32 v31, v5;
	v31 =	vor.u32 v32, v21;
	v32 =	vor.u32 v33, v23  }
0x62: {  	v33 =	vor.u32 v34, v28;
	v19 =	vor.u32 $0x80, v22;
	v20 =	vor.u32 $0x80, v6;
	v21 =	vld.idx.msk [tilespmem:v27+s3+$0x0], $0xffff  }
0x63: {  	v23 =	vor.u32 $0x80, v26;
	v28 =	vor.u32 $0x80, v31;
	v27 =	vor.u32 $0x80, v29;
	v30 =	vld.idx.msk [tilespmem:v30+s3+$0x0], $0xffff  }
0x64: {  	v36 =	vand.u32 $0xFFFF0000, v16;
	v34 =	vor.u32 $0x80, v32;
	v35 =	vor.u32 $0x80, v33  }
0x65: {  	v37 =	vand.u32 $0xFFFF0000, v14;
	v38 =	vand.u32 $0xFFFF0000, v12;
	v5 =	vld.idx.msk [tilespmem:v22+s8+$0x0], $0xffff;
	v22 =	vand.u32 $0xFFFF0000, v17  }
0x66: {  	v39 =	vand.u32 $0xFFFF0000, v13;
	v40 =	vand.u32 $0xFFFF0000, v15;
	v41 =	vand.u32 $0xFFFF0000, v18;
	v6 =	vld.idx.msk [tilespmem:v6+s8+$0x0], $0xffff  }
0x67: {  	v13 =	vshll.u32 v25, $0x10;
	v15 =	vshll.u32 v24, $0x10;
	v9 =	vshll.u32 v9, $0x10;
	v16 =	vld.idx.msk [tilespmem:v19+s8+$0x0], $0xffff  }
0x68: {  	v7 =	vshll.u32 v7, $0x10;
	v8 =	vshll.u32 v8, $0x10;
	v10 =	vshll.u32 v10, $0x10;
	v17 =	vld.idx.msk [tilespmem:v20+s8+$0x0], $0xffff  }
0x69: {  	v11 =	vshll.u32 v11, $0x10;
	v18 =	vshll.u32 v21, $0x10;
	v19 =	vand.u32 $0xFFFF0000, v30;
	v14 =	vld.idx.msk [tilespmem:v23+s8+$0x0], $0xffff  }
0x6a: {  	v3 =	vsel vm0, v3, v4;
	v25 =	vadd.f32 v19, v18;
	v19 =	vadd.f32 v36, v13;
	v12 =	vld.idx.msk [tilespmem:v27+s8+$0x0], $0xffff  }
0x6b: {  	v21 =	vadd.f32 v37, v9;
	v20 =	vadd.f32 v22, v15;
	v13 =	vld.idx.msk [tilespmem:v28+s8+$0x0], $0xffff;
	[tilespmem:s15+$0x20] =	vst v3;
	s15 =	smov.u32 s14  }
0x6c: {  	v22 =	vadd.f32 v39, v8;
	v23 =	vadd.f32 v38, v7;
	v4 =	vmul.f32 $2.000000030e-01, v25;
	v15 =	vld.idx.msk [tilespmem:v34+s8+$0x0], $0xffff  }
0x6d: {  	v24 =	vadd.f32 v40, v10;
	vm0 =	vge.f32 v25, $0.0e+00;
	v3 =	vadd.f32 v41, v11;
	v18 =	vld.idx.msk [tilespmem:v35+s8+$0x0], $0xffff  }
.Ltmp0:
0x6e: {  	s14 =	sadd.s32 $0x80, s14;
	v4 =	vsel vm0, v25, v4;
	v25 =	vmul.f32 $2.000000030e-01, v20;
	v9 =	vld.idx.msk [tilespmem:v26+s8+$0x0], $0xffff;
	v26 =	vmul.f32 $2.000000030e-01, v19;
	(pc) =	sbr.rel @p0 .LBB2_2-.Ltmp0, $4  }
0x6f: {  	vm1 =	vge.f32 v19, $0.0e+00;
	v28 =	vmul.f32 $2.000000030e-01, v21;
	v27 =	vmul.f32 $2.000000030e-01, v23;
	v7 =	vld.idx.msk [tilespmem:v29+s8+$0x0], $0xffff;
	[tilespmem:s14+$0x30] =	vst v4  }
0x70: {  	v30 =	vmul.f32 $2.000000030e-01, v24;
	vm2 =	vge.f32 v20, $0.0e+00;
	v29 =	vmul.f32 $2.000000030e-01, v22;
	v8 =	vld.idx.msk [tilespmem:v31+s8+$0x0], $0xffff  }
0x71: {  	vm4 =	vge.f32 v21, $0.0e+00;
	vm3 =	vge.f32 v23, $0.0e+00;
	v4 =	vmul.f32 $2.000000030e-01, v3;
	v10 =	vld.idx.msk [tilespmem:v32+s8+$0x0], $0xffff  }
0x72: {  	vm6 =	vge.f32 v24, $0.0e+00;
	vm5 =	vge.f32 v22, $0.0e+00;
	vm0 =	vge.f32 v3, $0.0e+00;
	v11 =	vld.idx.msk [tilespmem:v33+s8+$0x0], $0xffff  }
0x73: {  	_ =	sdelay $0x3  }
0x74: {  	v16 =	vld.idx.msk [tilespmem:v16+s3+$0x0], $0xffff  }
0x75: {  	v17 =	vld.idx.msk [tilespmem:v17+s3+$0x0], $0xffff  }
0x76: {  	v14 =	vld.idx.msk [tilespmem:v14+s3+$0x0], $0xffff  }
0x77: {  	v12 =	vld.idx.msk [tilespmem:v12+s3+$0x0], $0xffff  }
0x78: {  	v13 =	vld.idx.msk [tilespmem:v13+s3+$0x0], $0xffff  }
0x79: {  	v15 =	vld.idx.msk [tilespmem:v15+s3+$0x0], $0xffff  }
0x7a: {  	v18 =	vld.idx.msk [tilespmem:v18+s3+$0x0], $0xffff  }
0x7b: {  	v5 =	vld.idx.msk [tilespmem:v5+s3+$0x0], $0xffff  }
0x7c: {  	v6 =	vld.idx.msk [tilespmem:v6+s3+$0x0], $0xffff  }
0x7d: {  	v9 =	vld.idx.msk [tilespmem:v9+s3+$0x0], $0xffff;
	v19 =	vsel vm1, v19, v26  }
0x7e: {  	v20 =	vsel vm2, v20, v25;
	v21 =	vsel vm4, v21, v28;
	v23 =	vsel vm3, v23, v27;
	v7 =	vld.idx.msk [tilespmem:v7+s3+$0x0], $0xffff  }
0x7f: {  	v22 =	vsel vm5, v22, v29;
	v24 =	vsel vm6, v24, v30;
	v3 =	vsel vm0, v3, v4;
	v8 =	vld.idx.msk [tilespmem:v8+s3+$0x0], $0xffff  }
0x80: {  	v10 =	vld.idx.msk [tilespmem:v10+s3+$0x0], $0xffff;
	v16 =	vand.u32 $0xFFFF0000, v16;
	v17 =	vand.u32 $0xFFFF0000, v17;
	v14 =	vand.u32 $0xFFFF0000, v14  }
0x81: {  	v12 =	vand.u32 $0xFFFF0000, v12;
	v13 =	vand.u32 $0xFFFF0000, v13;
	v15 =	vand.u32 $0xFFFF0000, v15  }
0x82: {  	[tilespmem:s15+$0xFFFFFFC0] =	vst v19;
	v18 =	vand.u32 $0xFFFF0000, v18;
	v5 =	vshll.u32 v5, $0x10;
	v6 =	vshll.u32 v6, $0x10  }
0x83: {  	[tilespmem:s15+$0xFFFFFFD0] =	vst v20;
	v11 =	vld.idx.msk [tilespmem:v11+s3+$0x0], $0xffff;
	v9 =	vshll.u32 v9, $0x10;
	v7 =	vshll.u32 v7, $0x10;
	v5 =	vadd.f32 v16, v5  }
0x84: {  	[tilespmem:s15+$0xFFFFFFE0] =	vst v21;
	v6 =	vadd.f32 v17, v6;
	v56 =	vadd.f32 v14, v9;
	v8 =	vshll.u32 v8, $0x10  }
0x85: {  	[tilespmem:s15+$0xFFFFFFF0] =	vst v23;
	v7 =	vadd.f32 v12, v7;
	v10 =	vshll.u32 v10, $0x10;
	v8 =	vadd.f32 v13, v8  }
0x86: {  	[tilespmem:s15+$0x0] =	vst v22;
	v58 =	vmul.f32 $2.000000030e-01, v5;
	v59 =	vmul.f32 $2.000000030e-01, v6;
	vm8 =	vge.f32 v5, $0.0e+00  }
0x87: {  	[tilespmem:s15+$0x20] =	vst v3;
	v3 =	vmul.f32 $2.000000030e-01, v56;
	vm9 =	vge.f32 v6, $0.0e+00;
	vm10 =	vge.f32 v56, $0.0e+00  }
0x88: {  	[tilespmem:s15+$0x10] =	vst v24;
	v11 =	vshll.u32 v11, $0x10;
	v57 =	vadd.f32 v15, v10;
	v5 =	vsel vm8, v5, v58  }
0x89: {  	v60 =	vmul.f32 $2.000000030e-01, v7;
	vm11 =	vge.f32 v7, $0.0e+00;
	v6 =	vsel vm9, v6, v59;
	[tilespmem:s14+$0xFFFFFFC0] =	vst v5  }
0x8a: {  	v11 =	vadd.f32 v18, v11;
	v61 =	vmul.f32 $2.000000030e-01, v8;
	v3 =	vsel vm10, v56, v3;
	[tilespmem:s14+$0xFFFFFFD0] =	vst v6  }
0x8b: {  	vm12 =	vge.f32 v8, $0.0e+00;
	v62 =	vmul.f32 $2.000000030e-01, v57;
	v63 =	vsel vm11, v7, v60;
	[tilespmem:s14+$0xFFFFFFE0] =	vst v3  }
0x8c: {  	vm13 =	vge.f32 v57, $0.0e+00;
	v3 =	vmul.f32 $2.000000030e-01, v11;
	v5 =	vsel vm12, v8, v61;
	[tilespmem:s14+$0xFFFFFFF0] =	vst v63  }
0x8d: {  	vm14 =	vge.f32 v11, $0.0e+00;
	v4 =	vsel vm13, v57, v62;
	[tilespmem:s14+$0x0] =	vst v5  }
0x8e: {  	[tilespmem:s14+$0x10] =	vst v4;
	v3 =	vsel vm14, v11, v3  }
0x8f: {  	[tilespmem:s14+$0x20] =	vst v3  }
0x90: {  	v3 =	vld.idx.msk [tilespmem:v1+s8+$0x0], $0xffff  }
0x91: {  	v4 =	vld.idx.msk [tilespmem:v2+s8+$0x0], $0xffff;
	_ =	sdelay $0x6  }
0x92: {  	v3 =	vld.idx.msk [tilespmem:v3+s3+$0x0], $0xffff  }
0x93: {  	v4 =	vld.idx.msk [tilespmem:v4+s3+$0x0], $0xffff;
	_ =	sdelay $0x4  }
0x94: {  	v3 =	vshll.u32 v3, $0x10;
	v4 =	vand.u32 $0xFFFF0000, v4  }
0x95: {  	v3 =	vadd.f32 v4, v3;
	_ =	sdelay $0x1  }
0x96: {  	v4 =	vmul.f32 $2.000000030e-01, v3  }
0x97: {  	s13 =	sadd.s32 $0x1, s13;
	vm15 =	vge.f32 v3, $0.0e+00  }
0x98: {  	p0 =	sne.s32 s13, s6;
	v3 =	vsel vm15, v3, v4  }
.Ltmp1:
0x99: {  	[tilespmem:$0x9F00] =	vst v3;
	(pc) =	sbr.rel @p0 .LBB2_1-.Ltmp1, $4  }
0x9a: {  	[hbm4b:s5+s3] =	stream.linear.scatter [tilespmem:s11], [sflag:$0x3], $0x2710, $0x38;
	[tilespmem:$0x9F80] =	vst v63  }
0x9b: {  	_ =	swait.ge [sflag:s12], $0x2710  }
0x9c: {  	[sflag:s12] =	ssyncset.done $0x0  }
0x9d: {  	[sflag:s12] =	ssyncadd.s32 $0xFFFFD8F0  }
0x9e: {  	_ =	sfence.sel $0x180000  }
0x9f: {  	[bflag:$0x0] =	sbarrier.arrive $0xFFFF  }
0xa0: {  	p0 =	sne.s32 s0, $0x0;
	_ =	strace $0x90000047  }
0xa1: {  	s0 =	sadd.s32 @!p0 $0x100000, s2;
	[bflag:$0x2] =	sbarrier.arrive $0xFFFF  }
0xa2: {  	[sflag:s0] =	ssyncadd.tile.s32 @!p0 $0x1;
	_ =	shalt  }
.Lfunc_end2:
_tile_overlayer_lowered:
.L_overlay_start_2:
0xa3: {  	(tag) =	ssettag $0x2  }
0xa4: {  	s0 =	rddreg [dreg:$0x0];
	s2 =	stileid.u32  }
0xa5: {  	s1 =	rddreg [dreg:$0x1];
	p0 =	sne.s32 s2, $0x0  }
0xa6: {  	s3 =	rddreg [dreg:$0x2];
	[bflag:$0x3] =	sbarrier.arrive $0xFFFF;
	s2 =	simm.s32 @!p0 $0x1C03  }
0xa7: {  	[timem:s3], [sflag:s2] =	dma.local @!p0 [hbm:s0], s1  }
0xa8: {  	s0 =	simm.s32 @!p0 $0x3  }
0xa9: {  	_ =	swait.ge @!p0 [sflag:s0], s1  }
0xaa: {  	s1 =	ssub.s32 @!p0 $0x0, s1;
	[sflag:s0] =	ssyncset.done @!p0 $0x0  }
0xab: {  	[sflag:s0] =	ssyncadd.s32 @!p0 s1  }
0xac: {  	[bflag:$0x3] =	sbarrier.arrive $0xFFFF  }
0xad: {  	_ =	shalt  }

</sc_bundles>
